<compile_context>
chip_gen: v7x
topology: tpu7x:2x2x1
jax: 0.10.2.dev20260603
libtpu: 0.0.44.dev20260713+nightly
codegen_flags: <defaults>
</compile_context>

<pallas_src>
import functools

import jax
import jax.numpy as jnp
from jax import lax
from jax.experimental import pallas as pl
from jax.experimental.pallas import tpu as pltpu
from jax.experimental.pallas import tpu_sc as plsc

FEAT = 1000
NC = 2
NS = 16
NW = NC * NS
L = 16


def _onehot_body(in_hbm, out_hbm, in_vmem, out_vmem, sem, bpw, d1, d2):
    wid = lax.axis_index("s") * NC + lax.axis_index("c")
    nfh = FEAT // 8
    nq = 128 // bpw

    cp = pltpu.async_copy(in_hbm.at[:, :, pl.ds(wid * bpw, bpw)], in_vmem, sem)

    ones = jnp.ones((L,), jnp.float32)
    zeros = jnp.zeros((L,), jnp.float32)

    @plsc.parallel_loop(0, nfh, unroll=2)
    def zero_fh(fh):
        @plsc.parallel_loop(0, 8 * bpw, step=L, unroll=8)
        def zero_i(i):
            out_vmem[fh, i // bpw, pl.ds(i % bpw, L)] = zeros

    cp.wait()

    lanes0 = lax.iota(jnp.int32, L)
    zero_idx = jnp.zeros((L,), jnp.int32)

    @plsc.parallel_loop(0, d1)
    def row_body(r):
        @plsc.parallel_loop(0, d2 * (bpw // L), unroll=5)
        def col_body(g):
            c = g // (bpw // L)
            k = g % (bpw // L)
            v = in_vmem[r, c, pl.ds(k * L, L)]
            plsc.store_scatter(out_vmem, [zero_idx, v, lanes0 + k * L], ones)

    pltpu.sync_copy(
        out_vmem,
        out_hbm.at[:, wid // nq, :, pl.ds((wid % nq) * bpw, bpw)],
    )


def kernel(tensor_3d):
    bsz, d1, d2 = tensor_3d.shape
    bpw = bsz // NW
    y = jnp.transpose(tensor_3d.astype(jnp.int32), (1, 2, 0))
    mesh = plsc.VectorSubcoreMesh(
        core_axis_name="c", subcore_axis_name="s", num_cores=NC, num_subcores=NS
    )
    body = functools.partial(_onehot_body, bpw=bpw, d1=d1, d2=d2)
    f = pl.kernel(
        body,
        out_type=jax.ShapeDtypeStruct((FEAT // 8, bsz // 128, 8, 128), jnp.float32),
        mesh=mesh,
        scratch_types=[
            pltpu.VMEM((d1, d2, bpw), jnp.int32),
            pltpu.VMEM((FEAT // 8, 8, bpw), jnp.float32),
            pltpu.SemaphoreType.DMA,
        ],
        compiler_params=pltpu.CompilerParams(
            needs_layout_passes=False,
            use_tc_tiling_on_sc=False,
            disable_bounds_checks=True,
            disable_semaphore_checks=True,
        ),
    )
    out4 = f(y)
    return out4.transpose(1, 3, 0, 2).reshape(bsz, FEAT)

# --- scband reference (transcript-rebuilt; emitter-appended) ---
"""Pipeline reference for scband-onehot-model-85504208929308 (READ-ONLY COPY).

The authoritative reference and input builder live on the scoring server;
editing this copy changes nothing except your own understanding.
"""

import jax, jax.numpy as jnp
import numpy as np

FEATDIM = 1000


def setup_inputs(seed: int = 0) -> dict:
    key = jax.random.key(seed)
    tensor_3d = jax.random.randint(key, (1024, 26, 50), 0, FEATDIM, dtype=jnp.int64)
    return {"tensor_3d": tensor_3d}


def reference(tensor_3d):
    bsz, d1, d2 = tensor_3d.shape
    matrix_view = tensor_3d.reshape((-1, d2))
    N = matrix_view.shape[0]
    xoh = jnp.zeros((N, FEATDIM), dtype=jnp.float32)
    inds = jnp.broadcast_to(jnp.arange(N)[:, None], matrix_view.shape)
    # scatter-overwrite: xoh[inds, matrix_view] = 1
    xoh = xoh.at[inds, matrix_view].set(1.0)
    matrix_onehot = (xoh.reshape((bsz, d1, -1)).sum(axis=1) > 0).astype(jnp.float32)
    return matrix_onehot

if __name__ == "__main__":
    import jax
    _d = setup_inputs()
    print(jax.jit(kernel)(*tuple(_d.values())))

</pallas_src>

<mosaic_0001>
#map = affine_map<(d0, d1) -> (0, 0, 0)>
#map1 = affine_map<(d0, d1) -> (0, 0, 0, 0)>
module attributes {stable_mosaic.version = 14 : i64} {
  func.func @_onehot_body(%arg0: i32, %arg1: i32, %arg2: memref<26x50x1024xi32, #tpu.memory_space<hbm>>, %arg3: memref<125x8x8x128xf32, #tpu.memory_space<hbm>>, %arg4: memref<26x50x32xi32, #tpu.memory_space<vmem>>, %arg5: memref<125x8x32xf32, #tpu.memory_space<vmem>>, %arg6: memref<!tpu.dma_semaphore, #tpu.memory_space<semaphore_mem>>) attributes {dimension_semantics = [#tpu.dimension_semantics<core_parallel>, #tpu.dimension_semantics<subcore_parallel>], iteration_bounds = array<i64: 2, 16>, scalar_prefetch = 0 : i64, scratch_operands = 3 : i64, tpu.core_type = #tpu.core_type<sc_vector_subcore>, window_params = [{transform_indices = #map}, {transform_indices = #map1}]} {
    %mul3A = arith.constant 2 : i32
    %mul3A_0 = arith.muli %arg1, %mul3A : i32
    %add3A = arith.addi %mul3A_0, %arg0 : i32
    %mul3A_1 = arith.constant 32 : i32
    %mul3A_2 = arith.muli %add3A, %mul3A_1 : i32
    %dma_start3A = arith.constant 0 : i32
    %dma_start3A_3 = arith.constant 0 : i32
    %dma_start3A_4 = tpu.memref_slice %arg2[%dma_start3A, %dma_start3A_3, %mul3A_2] : memref<26x50x1024xi32, #tpu.memory_space<hbm>> -> memref<26x50x32xi32, #tpu.memory_space<hbm>>
    %dma_start3A_5 = arith.constant 0 : i32
    %dma_start3A_6 = arith.constant 0 : i32
    %dma_start3A_7 = tpu.memref_slice %arg2[%dma_start3A_5, %dma_start3A_6, %mul3A_2] : memref<26x50x1024xi32, #tpu.memory_space<hbm>> -> memref<26x50x32xi32, #tpu.memory_space<hbm>>
    tpu.enqueue_dma source(%dma_start3A_7 : memref<26x50x32xi32, #tpu.memory_space<hbm>>) target(%arg4 : memref<26x50x32xi32, #tpu.memory_space<vmem>>) target_semaphore(%arg6 : memref<!tpu.dma_semaphore, #tpu.memory_space<semaphore_mem>>)
    %broadcast_in_dim3A = arith.constant 1.000000e+00 : f32
    %broadcast_in_dim3A_8 = vector.broadcast %broadcast_in_dim3A : f32 to vector<16xf32>
    %broadcast_in_dim3A_9 = arith.constant 0.000000e+00 : f32
    %broadcast_in_dim3A_10 = vector.broadcast %broadcast_in_dim3A_9 : f32 to vector<16xf32>
    %parallel_loop3A = arith.constant 0 : i32
    %parallel_loop3A_11 = arith.constant 125 : i32
    %parallel_loop3A_12 = arith.constant 1 : i32
    scf.for %parallel_loop3A_55 = %parallel_loop3A to %parallel_loop3A_11 step %parallel_loop3A_12  : i32 {
      %parallel_loop3A_56 = arith.constant 0 : i32
      %parallel_loop3A_57 = arith.constant 256 : i32
      %parallel_loop3A_58 = arith.constant 16 : i32
      scf.for %parallel_loop3A_59 = %parallel_loop3A_56 to %parallel_loop3A_57 step %parallel_loop3A_58  : i32 {
        %parallel_loop3A_60 = arith.constant 32 : i32
        %parallel_loop3A_61 = arith.divsi %parallel_loop3A_59, %parallel_loop3A_60 : i32
        %parallel_loop3A_62 = arith.constant 0 : i32
        %parallel_loop3A_63 = arith.cmpi sgt, %parallel_loop3A_59, %parallel_loop3A_62 : i32
        %parallel_loop3A_64 = arith.extui %parallel_loop3A_63 : i1 to i32
        %parallel_loop3A_65 = arith.constant 0 : i32
        %parallel_loop3A_66 = arith.cmpi slt, %parallel_loop3A_59, %parallel_loop3A_65 : i32
        %parallel_loop3A_67 = arith.extui %parallel_loop3A_66 : i1 to i32
        %parallel_loop3A_68 = arith.subi %parallel_loop3A_64, %parallel_loop3A_67 : i32
        %parallel_loop3A_69 = arith.constant 0 : i32
        %parallel_loop3A_70 = arith.cmpi sgt, %parallel_loop3A_60, %parallel_loop3A_69 : i32
        %parallel_loop3A_71 = arith.extui %parallel_loop3A_70 : i1 to i32
        %parallel_loop3A_72 = arith.constant 0 : i32
        %parallel_loop3A_73 = arith.cmpi slt, %parallel_loop3A_60, %parallel_loop3A_72 : i32
        %parallel_loop3A_74 = arith.extui %parallel_loop3A_73 : i1 to i32
        %parallel_loop3A_75 = arith.subi %parallel_loop3A_71, %parallel_loop3A_74 : i32
        %parallel_loop3A_76 = arith.cmpi ne, %parallel_loop3A_68, %parallel_loop3A_75 : i32
        %parallel_loop3A_77 = arith.remsi %parallel_loop3A_59, %parallel_loop3A_60 : i32
        %parallel_loop3A_78 = arith.constant 0 : i32
        %parallel_loop3A_79 = arith.cmpi ne, %parallel_loop3A_77, %parallel_loop3A_78 : i32
        %parallel_loop3A_80 = arith.andi %parallel_loop3A_76, %parallel_loop3A_79 : i1
        %parallel_loop3A_81 = arith.constant 1 : i32
        %parallel_loop3A_82 = arith.subi %parallel_loop3A_61, %parallel_loop3A_81 : i32
        %parallel_loop3A_83 = arith.select %parallel_loop3A_80, %parallel_loop3A_82, %parallel_loop3A_61 : i32
        %parallel_loop3A_84 = arith.constant 32 : i32
        %parallel_loop3A_85 = arith.constant 0 : i32
        %parallel_loop3A_86 = arith.cmpi eq, %parallel_loop3A_84, %parallel_loop3A_85 : i32
        %parallel_loop3A_87 = arith.constant 1 : i32
        %parallel_loop3A_88 = arith.select %parallel_loop3A_86, %parallel_loop3A_87, %parallel_loop3A_84 : i32
        %parallel_loop3A_89 = arith.remsi %parallel_loop3A_59, %parallel_loop3A_88 : i32
        %parallel_loop3A_90 = arith.constant 0 : i32
        %parallel_loop3A_91 = arith.cmpi ne, %parallel_loop3A_89, %parallel_loop3A_90 : i32
        %parallel_loop3A_92 = arith.constant 0 : i32
        %parallel_loop3A_93 = arith.cmpi slt, %parallel_loop3A_89, %parallel_loop3A_92 : i32
        %parallel_loop3A_94 = arith.constant 0 : i32
        %parallel_loop3A_95 = arith.cmpi slt, %parallel_loop3A_88, %parallel_loop3A_94 : i32
        %parallel_loop3A_96 = arith.xori %parallel_loop3A_93, %parallel_loop3A_95 : i1
        %parallel_loop3A_97 = arith.andi %parallel_loop3A_96, %parallel_loop3A_91 : i1
        %parallel_loop3A_98 = arith.addi %parallel_loop3A_89, %parallel_loop3A_88 : i32
        %parallel_loop3A_99 = arith.select %parallel_loop3A_97, %parallel_loop3A_98, %parallel_loop3A_89 : i32
        %parallel_loop3A_100 = arith.index_cast %parallel_loop3A_55 : i32 to index
        %parallel_loop3A_101 = arith.index_cast %parallel_loop3A_83 : i32 to index
        %parallel_loop3A_102 = arith.index_cast %parallel_loop3A_99 : i32 to index
        %parallel_loop3A_103 = tpu.vector_load %arg5[%parallel_loop3A_100, %parallel_loop3A_101, %parallel_loop3A_102] {strides = array<i32>} : memref<125x8x32xf32, #tpu.memory_space<vmem>>, vector<16xf32>,
        tpu.vector_store %arg5[%parallel_loop3A_100, %parallel_loop3A_101, %parallel_loop3A_102], %broadcast_in_dim3A_10 {strides = array<i32>} : memref<125x8x32xf32, #tpu.memory_space<vmem>>, vector<16xf32>,
      } {sc.loop_unroll_factor = 8 : i64, sc.parallel_access}
    } {sc.loop_unroll_factor = 2 : i64, sc.parallel_access}
    %dma_wait3A = arith.constant 0 : i32
    %dma_wait3A_13 = arith.constant 0 : i32
    %dma_wait3A_14 = tpu.memref_slice %arg2[%dma_wait3A, %dma_wait3A_13, %mul3A_2] : memref<26x50x1024xi32, #tpu.memory_space<hbm>> -> memref<26x50x32xi32, #tpu.memory_space<hbm>>
    %dma_wait3A_15 = arith.constant 0 : i32
    %dma_wait3A_16 = arith.constant 0 : i32
    %dma_wait3A_17 = tpu.memref_slice %arg2[%dma_wait3A_15, %dma_wait3A_16, %mul3A_2] : memref<26x50x1024xi32, #tpu.memory_space<hbm>> -> memref<26x50x32xi32, #tpu.memory_space<hbm>>
    tpu.wait_dma2 semaphore(%arg6 : memref<!tpu.dma_semaphore, #tpu.memory_space<semaphore_mem>>) src(%dma_wait3A_17 : memref<26x50x32xi32, #tpu.memory_space<hbm>>) dst(%arg4 : memref<26x50x32xi32, #tpu.memory_space<vmem>>)
    %iota3A = tpu.iota {dimensions = array<i32: 0>} : vector<16xi32>
    %broadcast_in_dim3A_18 = arith.constant 0 : i32
    %broadcast_in_dim3A_19 = vector.broadcast %broadcast_in_dim3A_18 : i32 to vector<16xi32>
    %parallel_loop3A_20 = arith.constant 0 : i32
    %parallel_loop3A_21 = arith.constant 26 : i32
    %parallel_loop3A_22 = arith.constant 1 : i32
    scf.for %parallel_loop3A_55 = %parallel_loop3A_20 to %parallel_loop3A_21 step %parallel_loop3A_22  : i32 {
      %parallel_loop3A_56 = arith.constant 0 : i32
      %parallel_loop3A_57 = arith.constant 100 : i32
      %parallel_loop3A_58 = arith.constant 1 : i32
      scf.for %parallel_loop3A_59 = %parallel_loop3A_56 to %parallel_loop3A_57 step %parallel_loop3A_58  : i32 {
        %parallel_loop3A_60 = arith.constant 2 : i32
        %parallel_loop3A_61 = arith.divsi %parallel_loop3A_59, %parallel_loop3A_60 : i32
        %parallel_loop3A_62 = arith.constant 0 : i32
        %parallel_loop3A_63 = arith.cmpi sgt, %parallel_loop3A_59, %parallel_loop3A_62 : i32
        %parallel_loop3A_64 = arith.extui %parallel_loop3A_63 : i1 to i32
        %parallel_loop3A_65 = arith.constant 0 : i32
        %parallel_loop3A_66 = arith.cmpi slt, %parallel_loop3A_59, %parallel_loop3A_65 : i32
        %parallel_loop3A_67 = arith.extui %parallel_loop3A_66 : i1 to i32
        %parallel_loop3A_68 = arith.subi %parallel_loop3A_64, %parallel_loop3A_67 : i32
        %parallel_loop3A_69 = arith.constant 0 : i32
        %parallel_loop3A_70 = arith.cmpi sgt, %parallel_loop3A_60, %parallel_loop3A_69 : i32
        %parallel_loop3A_71 = arith.extui %parallel_loop3A_70 : i1 to i32
        %parallel_loop3A_72 = arith.constant 0 : i32
        %parallel_loop3A_73 = arith.cmpi slt, %parallel_loop3A_60, %parallel_loop3A_72 : i32
        %parallel_loop3A_74 = arith.extui %parallel_loop3A_73 : i1 to i32
        %parallel_loop3A_75 = arith.subi %parallel_loop3A_71, %parallel_loop3A_74 : i32
        %parallel_loop3A_76 = arith.cmpi ne, %parallel_loop3A_68, %parallel_loop3A_75 : i32
        %parallel_loop3A_77 = arith.remsi %parallel_loop3A_59, %parallel_loop3A_60 : i32
        %parallel_loop3A_78 = arith.constant 0 : i32
        %parallel_loop3A_79 = arith.cmpi ne, %parallel_loop3A_77, %parallel_loop3A_78 : i32
        %parallel_loop3A_80 = arith.andi %parallel_loop3A_76, %parallel_loop3A_79 : i1
        %parallel_loop3A_81 = arith.constant 1 : i32
        %parallel_loop3A_82 = arith.subi %parallel_loop3A_61, %parallel_loop3A_81 : i32
        %parallel_loop3A_83 = arith.select %parallel_loop3A_80, %parallel_loop3A_82, %parallel_loop3A_61 : i32
        %parallel_loop3A_84 = arith.constant 2 : i32
        %parallel_loop3A_85 = arith.constant 0 : i32
        %parallel_loop3A_86 = arith.cmpi eq, %parallel_loop3A_84, %parallel_loop3A_85 : i32
        %parallel_loop3A_87 = arith.constant 1 : i32
        %parallel_loop3A_88 = arith.select %parallel_loop3A_86, %parallel_loop3A_87, %parallel_loop3A_84 : i32
        %parallel_loop3A_89 = arith.remsi %parallel_loop3A_59, %parallel_loop3A_88 : i32
        %parallel_loop3A_90 = arith.constant 0 : i32
        %parallel_loop3A_91 = arith.cmpi ne, %parallel_loop3A_89, %parallel_loop3A_90 : i32
        %parallel_loop3A_92 = arith.constant 0 : i32
        %parallel_loop3A_93 = arith.cmpi slt, %parallel_loop3A_89, %parallel_loop3A_92 : i32
        %parallel_loop3A_94 = arith.constant 0 : i32
        %parallel_loop3A_95 = arith.cmpi slt, %parallel_loop3A_88, %parallel_loop3A_94 : i32
        %parallel_loop3A_96 = arith.xori %parallel_loop3A_93, %parallel_loop3A_95 : i1
        %parallel_loop3A_97 = arith.andi %parallel_loop3A_96, %parallel_loop3A_91 : i1
        %parallel_loop3A_98 = arith.addi %parallel_loop3A_89, %parallel_loop3A_88 : i32
        %parallel_loop3A_99 = arith.select %parallel_loop3A_97, %parallel_loop3A_98, %parallel_loop3A_89 : i32
        %parallel_loop3A_100 = arith.constant 16 : i32
        %parallel_loop3A_101 = arith.muli %parallel_loop3A_99, %parallel_loop3A_100 : i32
        %parallel_loop3A_102 = arith.index_cast %parallel_loop3A_55 : i32 to index
        %parallel_loop3A_103 = arith.index_cast %parallel_loop3A_83 : i32 to index
        %parallel_loop3A_104 = arith.index_cast %parallel_loop3A_101 : i32 to index
        %parallel_loop3A_105 = tpu.vector_load %arg4[%parallel_loop3A_102, %parallel_loop3A_103, %parallel_loop3A_104] {strides = array<i32>} : memref<26x50x32xi32, #tpu.memory_space<vmem>>, vector<16xi32>,
        %parallel_loop3A_106 = arith.constant 16 : i32
        %parallel_loop3A_107 = arith.muli %parallel_loop3A_99, %parallel_loop3A_106 : i32
        %parallel_loop3A_108 = vector.broadcast %parallel_loop3A_107 : i32 to vector<16xi32>
        %parallel_loop3A_109 = arith.addi %iota3A, %parallel_loop3A_108 : vector<16xi32>
        tpu.vector_store_idx %arg5[%broadcast_in_dim3A_19, %parallel_loop3A_105, %parallel_loop3A_109], %broadcast_in_dim3A_8 : memref<125x8x32xf32, #tpu.memory_space<vmem>>[vector<16xi32>, vector<16xi32>, vector<16xi32>], vector<16xf32>,
      } {sc.loop_unroll_factor = 5 : i64, sc.parallel_access}
    } {sc.loop_unroll_factor = 1 : i64, sc.parallel_access}
    %jit3A = arith.constant 4 : i32
    %div3A = arith.divsi %add3A, %jit3A : i32
    %sign3A = arith.constant 0 : i32
    %sign3A_23 = arith.cmpi sgt, %add3A, %sign3A : i32
    %sign3A_24 = arith.extui %sign3A_23 : i1 to i32
    %sign3A_25 = arith.constant 0 : i32
    %sign3A_26 = arith.cmpi slt, %add3A, %sign3A_25 : i32
    %sign3A_27 = arith.extui %sign3A_26 : i1 to i32
    %sign3A_28 = arith.subi %sign3A_24, %sign3A_27 : i32
    %sign3A_29 = arith.constant 0 : i32
    %sign3A_30 = arith.cmpi sgt, %jit3A, %sign3A_29 : i32
    %sign3A_31 = arith.extui %sign3A_30 : i1 to i32
    %sign3A_32 = arith.constant 0 : i32
    %sign3A_33 = arith.cmpi slt, %jit3A, %sign3A_32 : i32
    %sign3A_34 = arith.extui %sign3A_33 : i1 to i32
    %sign3A_35 = arith.subi %sign3A_31, %sign3A_34 : i32
    %ne3A = arith.cmpi ne, %sign3A_28, %sign3A_35 : i32
    %rem3A = arith.remsi %add3A, %jit3A : i32
    %ne3A_36 = arith.constant 0 : i32
    %ne3A_37 = arith.cmpi ne, %rem3A, %ne3A_36 : i32
    %and3A = arith.andi %ne3A, %ne3A_37 : i1
    %sub3A = arith.constant 1 : i32
    %sub3A_38 = arith.subi %div3A, %sub3A : i32
    %select_n3A = arith.select %and3A, %sub3A_38, %div3A : i32
    %jit3A_39 = arith.constant 4 : i32
    %eq3A = arith.constant 0 : i32
    %eq3A_40 = arith.cmpi eq, %jit3A_39, %eq3A : i32
    %jit3A_41 = arith.constant 1 : i32
    %select_n3A_42 = arith.select %eq3A_40, %jit3A_41, %jit3A_39 : i32
    %rem3A_43 = arith.remsi %add3A, %select_n3A_42 : i32
    %ne3A_44 = arith.constant 0 : i32
    %ne3A_45 = arith.cmpi ne, %rem3A_43, %ne3A_44 : i32
    %lt3A = arith.constant 0 : i32
    %lt3A_46 = arith.cmpi slt, %rem3A_43, %lt3A : i32
    %lt3A_47 = arith.constant 0 : i32
    %lt3A_48 = arith.cmpi slt, %select_n3A_42, %lt3A_47 : i32
    %ne3A_49 = arith.xori %lt3A_46, %lt3A_48 : i1
    %and3A_50 = arith.andi %ne3A_49, %ne3A_45 : i1
    %add3A_51 = arith.addi %rem3A_43, %select_n3A_42 : i32
    %select_n3A_52 = arith.select %and3A_50, %add3A_51, %rem3A_43 : i32
    %mul3A_53 = arith.constant 32 : i32
    %mul3A_54 = arith.muli %select_n3A_52, %mul3A_53 : i32
    "tpu.region"() ({
      %run_scoped3A = tpu.sem_alloc : memref<!tpu.dma_semaphore, #tpu.memory_space<semaphore_mem>>
      %dma_start3A_55 = arith.constant 0 : i32
      %dma_start3A_56 = arith.constant 0 : i32
      %dma_start3A_57 = tpu.memref_slice %arg3[%dma_start3A_55, %select_n3A, %dma_start3A_56, %mul3A_54] : memref<125x8x8x128xf32, #tpu.memory_space<hbm>> -> memref<125x1x8x32xf32, #tpu.memory_space<hbm>>
      %dma_start3A_58 = tpu.memref_squeeze %dma_start3A_57 : memref<125x1x8x32xf32, #tpu.memory_space<hbm>> -> memref<125x8x32xf32, #tpu.memory_space<hbm>>
      %dma_start3A_59 = arith.constant 0 : i32
      %dma_start3A_60 = arith.constant 0 : i32
      %dma_start3A_61 = tpu.memref_slice %arg3[%dma_start3A_59, %select_n3A, %dma_start3A_60, %mul3A_54] : memref<125x8x8x128xf32, #tpu.memory_space<hbm>> -> memref<125x1x8x32xf32, #tpu.memory_space<hbm>>
      %dma_start3A_62 = tpu.memref_squeeze %dma_start3A_61 : memref<125x1x8x32xf32, #tpu.memory_space<hbm>> -> memref<125x8x32xf32, #tpu.memory_space<hbm>>
      tpu.enqueue_dma source(%arg5 : memref<125x8x32xf32, #tpu.memory_space<vmem>>) target(%dma_start3A_62 : memref<125x8x32xf32, #tpu.memory_space<hbm>>) target_semaphore(%run_scoped3A : memref<!tpu.dma_semaphore, #tpu.memory_space<semaphore_mem>>)
      %dma_wait3A_63 = arith.constant 0 : i32
      %dma_wait3A_64 = arith.constant 0 : i32
      %dma_wait3A_65 = tpu.memref_slice %arg3[%dma_wait3A_63, %select_n3A, %dma_wait3A_64, %mul3A_54] : memref<125x8x8x128xf32, #tpu.memory_space<hbm>> -> memref<125x1x8x32xf32, #tpu.memory_space<hbm>>
      %dma_wait3A_66 = tpu.memref_squeeze %dma_wait3A_65 : memref<125x1x8x32xf32, #tpu.memory_space<hbm>> -> memref<125x8x32xf32, #tpu.memory_space<hbm>>
      %dma_wait3A_67 = arith.constant 0 : i32
      %dma_wait3A_68 = arith.constant 0 : i32
      %dma_wait3A_69 = tpu.memref_slice %arg3[%dma_wait3A_67, %select_n3A, %dma_wait3A_68, %mul3A_54] : memref<125x8x8x128xf32, #tpu.memory_space<hbm>> -> memref<125x1x8x32xf32, #tpu.memory_space<hbm>>
      %dma_wait3A_70 = tpu.memref_squeeze %dma_wait3A_69 : memref<125x1x8x32xf32, #tpu.memory_space<hbm>> -> memref<125x8x32xf32, #tpu.memory_space<hbm>>
      tpu.wait_dma2 semaphore(%run_scoped3A : memref<!tpu.dma_semaphore, #tpu.memory_space<semaphore_mem>>) src(%arg5 : memref<125x8x32xf32, #tpu.memory_space<vmem>>) dst(%dma_wait3A_70 : memref<125x8x32xf32, #tpu.memory_space<hbm>>)
      tpu.yield
    }) : () -> ()
    return
  }
}

</mosaic_0001>

<sc_bundles>
// kernel: kernel.3.cloned.1.call-start
scs
__scs_entry_jumppad:
0x0: {  	(pc) =	sbr.rel $0x88, $3  }
0x1: {  	(tag) =	ssettag $0x0;
	lr =	simm.s32 $0x1  }
0x2: {  	[smem:$0x3FA0] =	sst lr;
	_ =	strace $0xD0000000  }
0x3: {  	_ = 	snop  }
0x4: {  	_ = 	snop  }
0x5: {  	_ = 	snop  }
0x6: {  	_ = 	snop  }
0x7: {  	_ = 	snop  }
__scs_overlays_trampoline_lowered:
0x8: {  	[smem:$0x3FAF] =	sst s0  }
0x9: {  	[smem:$0x3FB0] =	sst s1  }
0xa: {  	[smem:$0x3FB1] =	sst s2  }
0xb: {  	[smem:$0x3FB2] =	sst s3  }
0xc: {  	[smem:$0x3FB3] =	sst s4  }
0xd: {  	[smem:$0x3FB4] =	sst s5  }
0xe: {  	[smem:$0x3FB5] =	sst s6  }
0xf: {  	[smem:$0x3FB6] =	sst s7  }
0x10: {  	[smem:$0x3FB7] =	sst s8  }
0x11: {  	[smem:$0x3FB8] =	sst s9;
	s0 =	simm.s32 @!p0 $0x0  }
0x12: {  	s1 =	sld [smem:$0x3F9E];
	s0 =	simm.s32 @p0 $0x1  }
0x13: {  	[smem:$0x3FB9] =	sst s0;
	s0 =	simm.s32 @!p1 $0x0  }
0x14: {  	s2 =	sld [smem:$0x3F9D];
	s0 =	simm.s32 @p1 $0x1  }
0x15: {  	[smem:$0x3FBA] =	sst s0;
	s0 =	simm.s32 @!p2 $0x0  }
0x16: {  	s3 =	sld [smem:$0x3FDB];
	s0 =	simm.s32 @p2 $0x1  }
0x17: {  	s4 =	simm.s32 $0x1BF5;
	[smem:$0x3FBC] =	sst s0  }
0x18: {  	s0 =	sld [smem:$0x3F9F];
	_ =	swait.ge [sflag:s4], $0x0  }
0x19: {  	s7 =	sld [smem:$0x3FA0]  }
0x1a: {  	s8 =	sadd.s32 $0xFFFFE003, lr  }
0x1b: {  	s9 =	sadd.s32 $0xFFFFFEF7, lr;
	s5 =	simm.s32 $0xFFFFFFFF;
	p2 =	slt.u32 s8, $0xFFFFF086  }
0x1c: {  	p1 =	slt.u32 s9, $0xF7A;
	s5 =	simm.s32 @!p2 $0x0  }
0x1d: {  	s5 =	simm.s32 @p1 $0x1;
	p0 =	seq.s32 s7, s2  }
0x1e: {  	s7 =	smul.u32 @!p0 $0xF7A, s2;
	p2 =	seq.s32 @!p0 s5, $0x0  }
0x1f: {  	s9 =	smul.u32 $0xF7A, s1;
	s8 =	simm.s32 @!p0 $0x1BF5;
	p2 =	por !p2, p0  }
0x20: {  	[sflag:s8] =	ssyncset.s32 @!p0 $0xFFFFF086;
	s6 =	sadd.s32 @!p0 s3, s7;
	s7 =	simm.s32 @!p0 $0x108  }
0x21: {  	s3 =	sadd.s32 s3, s9;
	s6 =	sadd.s32 @!p0 $0x88, s6;
	s7 =	simm.s32 @p2 $0x1082  }
0x22: {  	[simem:s7], [sflag:s8] =	dma.local @!p0 [hbm:s6], $0xF7A  }
0x23: {  	s9 =	sor.u32 $0xD0000000, s2;
	s6 =	simm.s32 $0x108;
	_ =	swait.ge @!p0 [sflag:s8], $0x0  }
0x24: {  	s3 =	sadd.s32 $0x88, s3;
	s6 =	simm.s32 @!p1 $0x1082;
	[sflag:s4] =	ssyncset.s32 $0xFFFFF086  }
0x25: {  	[simem:s6], [sflag:s4] =	dma.local [hbm:s3], $0xF7A  }
0x26: {  	[smem:$0x3FA0] =	sst s1;
	(tag) =	ssettag s2;
	_ =	strace s9  }
0x27: {  	s1 =	sld [smem:$0x3FB0]  }
0x28: {  	s2 =	sld [smem:$0x3FB1]  }
0x29: {  	s4 =	sld [smem:$0x3FB3]  }
0x2a: {  	p0 =	seq.s32 s5, $0x0;
	s5 =	sld [smem:$0x3FB4]  }
0x2b: {  	s6 =	sld [smem:$0x3FB5]  }
0x2c: {  	s7 =	sld [smem:$0x3FB6]  }
0x2d: {  	s3 =	simm.s32 $0x108;
	s8 =	sld [smem:$0x3FB7]  }
0x2e: {  	s3 =	simm.s32 @!p0 $0x1082;
	s9 =	sld [smem:$0x3FB8]  }
0x2f: {  	lr =	sadd.s32 s0, s3;
	s0 =	sld [smem:$0x3FAF]  }
0x30: {  	s3 =	sld [smem:$0x3FB2]  }
0x31: {  	[smem:$0x3FBB] =	sst s10  }
0x32: {  	s10 =	sld [smem:$0x3FB9];
	_ =	sdelay $0x3  }
0x33: {  	p0 =	seq.s32 s10, $0x1;
	s10 =	sld [smem:$0x3FBB];
	_ =	sdelay $0x3  }
0x34: {  	[smem:$0x3FBB] =	sst s10  }
0x35: {  	s10 =	sld [smem:$0x3FBA];
	_ =	sdelay $0x3  }
0x36: {  	p1 =	seq.s32 s10, $0x1;
	s10 =	sld [smem:$0x3FBB];
	_ =	sdelay $0x3  }
0x37: {  	[smem:$0x3FBB] =	sst s10  }
0x38: {  	s10 =	sld [smem:$0x3FBC]  }
0x39: {  	_ = 	snop;
	(pc) =	sbr.ind lr, $3  }
0x3a: {  	_ = 	snop  }
0x3b: {  	_ = 	snop  }
0x3c: {  	p2 =	seq.s32 s10, $0x1;
	s10 =	sld [smem:$0x3FBB]  }
0x3d: {  	_ =	shalt  }
0x3e: {  	_ =	shalt  }
0x3f: {  	_ =	shalt  }
0x40: {  	_ =	shalt  }
0x41: {  	_ =	shalt  }
0x42: {  	_ =	shalt  }
0x43: {  	_ =	shalt  }
0x44: {  	_ =	shalt  }
0x45: {  	_ =	shalt  }
0x46: {  	_ =	shalt  }
0x47: {  	_ =	shalt  }
0x48: {  	_ =	shalt  }
0x49: {  	_ =	shalt  }
0x4a: {  	_ =	shalt  }
0x4b: {  	_ =	shalt  }
0x4c: {  	_ =	shalt  }
0x4d: {  	_ =	shalt  }
0x4e: {  	_ =	shalt  }
0x4f: {  	_ =	shalt  }
0x50: {  	_ =	shalt  }
0x51: {  	_ =	shalt  }
0x52: {  	_ =	shalt  }
0x53: {  	_ =	shalt  }
0x54: {  	_ =	shalt  }
0x55: {  	_ =	shalt  }
0x56: {  	_ =	shalt  }
0x57: {  	_ =	shalt  }
0x58: {  	_ =	shalt  }
0x59: {  	_ =	shalt  }
0x5a: {  	_ =	shalt  }
0x5b: {  	_ =	shalt  }
0x5c: {  	_ =	shalt  }
0x5d: {  	_ =	shalt  }
0x5e: {  	_ =	shalt  }
0x5f: {  	_ =	shalt  }
0x60: {  	_ =	shalt  }
0x61: {  	_ =	shalt  }
0x62: {  	_ =	shalt  }
0x63: {  	_ =	shalt  }
0x64: {  	_ =	shalt  }
0x65: {  	_ =	shalt  }
0x66: {  	_ =	shalt  }
0x67: {  	_ =	shalt  }
0x68: {  	_ =	shalt  }
0x69: {  	_ =	shalt  }
0x6a: {  	_ =	shalt  }
0x6b: {  	_ =	shalt  }
0x6c: {  	_ =	shalt  }
0x6d: {  	_ =	shalt  }
0x6e: {  	_ =	shalt  }
0x6f: {  	_ =	shalt  }
0x70: {  	_ =	shalt  }
0x71: {  	_ =	shalt  }
0x72: {  	_ =	shalt  }
0x73: {  	_ =	shalt  }
0x74: {  	_ =	shalt  }
0x75: {  	_ =	shalt  }
0x76: {  	_ =	shalt  }
0x77: {  	_ =	shalt  }
0x78: {  	_ =	shalt  }
0x79: {  	_ =	shalt  }
0x7a: {  	_ =	shalt  }
0x7b: {  	_ =	shalt  }
0x7c: {  	_ =	shalt  }
0x7d: {  	_ =	shalt  }
0x7e: {  	_ =	shalt  }
0x7f: {  	_ =	shalt  }
0x80: {  	_ =	shalt  }
0x81: {  	_ =	shalt  }
0x82: {  	_ =	shalt  }
0x83: {  	_ =	shalt  }
0x84: {  	_ =	shalt  }
0x85: {  	_ =	shalt  }
0x86: {  	_ =	shalt  }
0x87: {  	_ =	shalt  }
.Lfunc_end0:
.L_simem_size_0:
called_computation_lowered:
.L_overlay_start_0:
0x88: {  	s2 =	sld [smem:$0x3FD9]  }
0x89: {  	s3 =	sld [smem:$0x3FFE];
	_ =	sdelay $0x1  }
0x8a: {  	s1 =	srdreg.scid  }
0x8b: {  	s0 =	sand.u32 $0x1, s1  }
0x8c: {  	s17 =	sshll.u32 s0, $0xA;
	s2 =	sadd.s32 s3, s2  }
0x8d: {  	s2 =	sadd.s32 s2, s17  }
0x8e: {  	[smem:$0x3FC7] =	sst s2  }
0x8f: {  	_ = 	snop  }
0x90: {  	s2 =	sld [smem:$0x3FD0];
	(tm) =	ssettm $0x1  }
0x91: {  	s18 =	sld [smem:$0x3FFB];
	_ =	sdelay $0x3  }
0x92: {  	_ =	strace s18  }
0x93: {  	s3 =	sld [smem:$0x3FFC];
	_ =	sdelay $0x3  }
0x94: {  	_ =	strace s3  }
0x95: {  	s3 =	sld [smem:$0x3FFD];
	_ =	sdelay $0x3  }
0x96: {  	_ =	strace s3  }
0x97: {  	_ =	strace $0x8FFFFFFF  }
0x98: {  	s19 =	sld [smem:$0x3FDB];
	_ =	sdelay $0x1  }
0x99: {  	s4 =	simm.s32 $_scs_section_size  }
0x9a: {  	s5 =	simm.s32 $_size__tile_overlayer_lowered;
	s6 =	simm.s32 $_tile_overlayer_lowered  }
0x9b: {  	s22 =	simm.s32 $0x1BFF;
	s21 =	sshll.u32 s6, $0x1;
	s3 =	sadd.s32 s4, s19  }
0x9c: {  	s7 =	simm.s32 $0x0;
	s20 =	sshll.u32 s5, $0x1;
	s5 =	sadd.s32 s21, s3  }
0x9d: {  	[timem:s7], [sflag:s22] =	dma.local [hbm:s5], s20  }
0x9e: {  	_ =	swait.ge [sflag:s22], s20  }
0x9f: {  	s4 =	ssub.s32 $0x0, s20;
	[sflag:s22] =	ssyncset.done $0x0  }
0xa0: {  	[sflag:s22] =	ssyncadd.s32 s4;
	_ =	sdelay $0x1  }
0xa1: {  	s23 =	simm.s32 $0x1B8B  }
0xa2: {  	_ =	swait.ge [sflag:s23], $0x1  }
0xa3: {  	[sflag:s23] =	ssyncset.done $0x0  }
0xa4: {  	s25 =	simm.s32 $0x1B8E;
	s24 =	sld [smem:$0x3FFE];
	[sflag:s23] =	ssyncadd.s32 $0xFFFFFFFF  }
0xa5: {  	s26 =	simm.s32 $execute0_lowered;
	[smem:$0x3FD2] =	sst s25  }
0xa6: {  	s5 =	sshll.u32 s26, $0x1;
	_ =	strace $0x80000046;
	[dreg:$0x1] =	wrdreg $0xFFFFFFFF  }
0xa7: {  	s28 =	simm.s32 $_size_execute0_lowered;
	s3 =	sadd.s32 s3, s5;
	[dreg:$0x0] =	wrdreg $0x0  }
0xa8: {  	s5 =	sshll.u32 s28, $0x1;
	[dreg:$0x2] =	wrdreg s3  }
0xa9: {  	[dreg:$0x3] =	wrdreg s5  }
0xaa: {  	[dreg:$0x4] =	wrdreg $0xC0  }
0xab: {  	_ =	task [dreg:s7], $0x5FFFF  }
0xac: {  	[dreg:$0x1] =	wrdreg $0xFFFFFFFF  }
0xad: {  	[dreg:$0x0] =	wrdreg $0x60  }
0xae: {  	[dreg:$0x2] =	wrdreg s24  }
0xaf: {  	[dreg:$0x3] =	wrdreg s2  }
0xb0: {  	[dreg:$0x4] =	wrdreg $0x9  }
0xb1: {  	_ =	task.clear_ibuf [dreg:s7], $0x5FFFF;
	_ =	strace $0x90000046  }
0xb2: {  	s29 =	simm.s32 $0x9;
	_ =	strace $0x80000048  }
0xb3: {  	_ =	swait.ge [sflag:s29], $0x1  }
0xb4: {  	[sflag:s29] =	ssyncadd.s32 $0xFFFFFFFF  }
0xb5: {  	_ =	strace $0x90000048  }
0xb6: {  	_ =	sfence  }
0xb7: {  	s30 =	sld [smem:$0x0];
	_ =	sdelay $0x2  }
0xb8: {  	s31 =	sshll.u32 s1, $0xD;
	s1 =	sshrl.u32 s1, $0x2  }
0xb9: {  	s3 =	sand.u32 $0x4000, s31;
	s1 =	sadd.s32 s1, s30  }
0xba: {  	s0 =	sor.u32 s3, s0;
	s1 =	sshll.u32 s1, $0x11  }
0xbb: {  	s0 =	sor.u32 s1, s0  }
0xbc: {  	s0 =	sadd.s32 $0x8F2B, s0  }
0xbd: {  	[sflag:s0] =	ssyncadd.remote.s32 $0x1  }
0xbe: {  	_ =	sfence.sel $0xFFFF  }
0xbf: {  	[dreg:$0x0] =	wrdreg $0xFFFFFFFF;
	(pc) =	sbr.abs _section_cstart, $3  }
0xc0: {  	[dreg:$0x1] =	wrdreg $0xFFFFFFFF  }
0xc1: {  	_ =	task.clear_ibuf [dreg:s7], $0x2FFFF;
	_ =	strace $0x9FFFFFFF  }
0xc2: {  	(tm) =	ssettm $0x7FFFFFFF  }
0xc3: {  	_ =	shalt  }
tec
execute0_lowered:
.L_overlay_start_1:
0x0: {  	(tag) =	ssettag $0x1  }
0x1: {  	s3 =	rddreg [dreg:$0x0]  }
0x2: {  	s4 =	rddreg [dreg:$0x1]  }
0x3: {  	s0 =	rddreg [dreg:$0x2]  }
0x4: {  	s2 =	simm.s32 $0x0;
	s5 =	srdreg.scid;
	s1 =	stileid.u32  }
0x5: {  	s9 =	simm.s32 $0xA280;
	s10 =	simm.s32 $0x80;
	s11 =	simm.s32 $0x2  }
0x6: {  	s12 =	simm.s32 $0x0;
	[smem:$0x7FF] =	sst s2;
	s5 =	sand.u32 $0x1, s5  }
0x7: {  	s6 =	sshll.u32 s1, $0x3;
	s8 =	sshll.u32 s1, $0x6;
	_ =	strace $0x80000047  }
0x8: {  	s7 =	sshll.u32 s5, $0x2;
	s5 =	ssub.s32 $0x2, s5;
	s31 =	sand.u32 $0x380, s8  }
0x9: {  	s8 =	simm.s32 $0x1;
	s6 =	sor.u32 s7, s6;
	s30 =	sshrl.u32 s5, $0x1  }
0xa: {  	v0 =	vlaneseq.u32;
	s4 =	sadd.s32 s4, s31;
	s7 =	simm.s32 $0x400;
	s3 =	sadd.s32 s6, s3  }
0xb: {  	v1 =	vimm.f32 $0.0e+00;
	v2 =	vshrl.u32 v0, $0x3;
	s5 =	ssub.s32 s5, s30;
	s6 =	sand.u32 $0xC, s6;
	s3 =	sadd.s32 $0x400, s3  }
0xc: {  	v4 =	vimm.f32 $1.000000000e+00;
	v3 =	vand.u32 $0x7, v0;
	v2 =	vmul.u32 $0x8, v2;
	s4 =	sadd.s32 s6, s4;
	s5 =	smax.u32 s5, $0x1;
	s6 =	simm.s32 $0x20  }
.LBB2_1:
0xd: {  	[tilespmem:s2], [sflag:$0x1] =	stream.strided.gather [hbm4b:s3+s6], $0xA280, s7, s6, $0x38;
	[tilespmem:$0x11F80] =	vst v63  }
0xe: {  	s13 =	simm.s32 $0x0  }
.LBB2_2:
0xf: {  	s14 =	sshll.u32 s13, $0x8  }
0x10: {  	s14 =	sand.u32 $0x3FFFFF00, s14  }
0x11: {  	s16 =	sadd.s32 $0xA280, s14  }
0x12: {  	v5 =	vmov s16;
	_ =	sdelay $0x3  }
0x13: {  	s15 =	simm.s32 $0x0;
	p0 =	por $0x1, $0x1  }
.LBB2_3:
0x14: {  	[tilespmem:v5+s15+$0x0 ss:$0x1] =	vst.idx.msk $0xffff, v1  }
0x15: {  	[tilespmem:v5+s15+$0x20 ss:$0x1] =	vst.idx.msk $0xffff, v1  }
0x16: {  	s16 =	sshll.u32 s15, $0x2;
	[tilespmem:v5+s15+$0x40 ss:$0x1] =	vst.idx.msk $0xffff, v1;
	p1 =	por p0, p0  }
.Ltmp0:
0x17: {  	[tilespmem:v5+s15+$0x60 ss:$0x1] =	vst.idx.msk $0xffff, v1;
	s16 =	sshra.s32 s16, $0x2;
	(pc) =	sbr.rel @p1 .LBB2_3-.Ltmp0, $4  }
0x18: {  	[tilespmem:v5+s16+$0x10 ss:$0x1] =	vst.idx.msk $0xffff, v1  }
0x19: {  	[tilespmem:v5+s16+$0x30 ss:$0x1] =	vst.idx.msk $0xffff, v1  }
0x1a: {  	[tilespmem:v5+s16+$0x50 ss:$0x1] =	vst.idx.msk $0xffff, v1  }
0x1b: {  	s15 =	simm.s32 $0x80;
	p0 =	por $0x0, $0x0;
	[tilespmem:v5+s16+$0x70 ss:$0x1] =	vst.idx.msk $0xffff, v1  }
0x1c: {  	s15 =	sadd.s32 $0xA380, s14  }
0x1d: {  	v5 =	vmov s15;
	_ =	sdelay $0x3  }
0x1e: {  	s14 =	simm.s32 $0x0;
	p0 =	por $0x1, $0x1  }
.LBB2_5:
0x1f: {  	[tilespmem:v5+s14+$0x0 ss:$0x1] =	vst.idx.msk $0xffff, v1  }
0x20: {  	[tilespmem:v5+s14+$0x20 ss:$0x1] =	vst.idx.msk $0xffff, v1  }
0x21: {  	s15 =	sshll.u32 s14, $0x2;
	[tilespmem:v5+s14+$0x40 ss:$0x1] =	vst.idx.msk $0xffff, v1;
	p1 =	por p0, p0  }
.Ltmp1:
0x22: {  	[tilespmem:v5+s14+$0x60 ss:$0x1] =	vst.idx.msk $0xffff, v1;
	s15 =	sshra.s32 s15, $0x2;
	(pc) =	sbr.rel @p1 .LBB2_5-.Ltmp1, $4  }
0x23: {  	[tilespmem:v5+s15+$0x10 ss:$0x1] =	vst.idx.msk $0xffff, v1  }
0x24: {  	[tilespmem:v5+s15+$0x30 ss:$0x1] =	vst.idx.msk $0xffff, v1  }
0x25: {  	[tilespmem:v5+s15+$0x50 ss:$0x1] =	vst.idx.msk $0xffff, v1  }
0x26: {  	s14 =	simm.s32 $0x80;
	p0 =	por $0x0, $0x0;
	[tilespmem:v5+s15+$0x70 ss:$0x1] =	vst.idx.msk $0xffff, v1  }
0x27: {  	p1 =	slt.u32 s13, $0x7A  }
.Ltmp2:
0x28: {  	_ = 	snop;
	(pc) =	sbr.rel @p1 .LBB2_2-.Ltmp2, $3  }
0x29: {  	_ =	sdelay $0x1  }
0x2a: {  	s15 =	sadd.s32 $0x2, s13  }
0x2b: {  	s14 =	simm.s32 $0x0;
	p0 =	por $0x1, $0x1;
	s13 =	smov.u32 s15  }
.LBB2_7:
0x2c: {  	[tilespmem:s14+$0x11E80] =	vst v1  }
0x2d: {  	[tilespmem:s14+$0x11EA0] =	vst v1  }
0x2e: {  	s13 =	sshll.u32 s14, $0x2;
	[tilespmem:s14+$0x11EC0] =	vst v1;
	p1 =	por p0, p0  }
.Ltmp3:
0x2f: {  	[tilespmem:s14+$0x11EE0] =	vst v1;
	s13 =	sshra.s32 s13, $0x2;
	(pc) =	sbr.rel @p1 .LBB2_7-.Ltmp3, $4  }
0x30: {  	[tilespmem:s13+$0x11E90] =	vst v1  }
0x31: {  	[tilespmem:s13+$0x11EB0] =	vst v1  }
0x32: {  	[tilespmem:s13+$0x11ED0] =	vst v1  }
0x33: {  	s14 =	simm.s32 $0x80;
	p0 =	por $0x0, $0x0;
	[tilespmem:s13+$0x11EF0] =	vst v1  }
0x34: {  	_ =	swait.ge [sflag:s8], $0xA280  }
0x35: {  	[sflag:s8] =	ssyncset.done $0x0  }
0x36: {  	s13 =	simm.s32 $0x0;
	s14 =	simm.s32 $0x0;
	[sflag:s8] =	ssyncadd.s32 $0xFFFF5D80  }
.LBB2_9:
0x37: {  	s15 =	smul.u32 $0x1900, s14;
	s16 =	simm.s32 $0x100  }
0x38: {  	s17 =	simm.s32 $0x40;
	s18 =	simm.s32 $0x0;
	s16 =	sand.u32 $0x3F80, s16  }
0x39: {  	s19 =	simm.s32 $0x80;
	s15 =	sshra.s32 s15, $0x2;
	s16 =	sshrl.u32 s16, $0x2  }
0x3a: {  	s20 =	simm.s32 $0xC0;
	s18 =	sand.u32 $0x10, s18;
	s16 =	sadd.s32 s16, s15  }
0x3b: {  	s21 =	sand.u32 $0x1F80, s13;
	s17 =	sand.u32 $0x3F80, s17;
	s16 =	sadd.s32 s18, s16  }
0x3c: {  	s22 =	simm.s32 $0x10;
	s19 =	sand.u32 $0x3F80, s19;
	s17 =	sshrl.u32 s17, $0x2;
	v5 =	vld [tilespmem:s16+$0x0]  }
0x3d: {  	s22 =	sand.u32 $0x10, s22;
	s19 =	sshrl.u32 s19, $0x2;
	s17 =	sadd.s32 s17, s15  }
0x3e: {  	s20 =	sand.u32 $0x3F80, s20;
	s23 =	sadd.s32 s19, s15;
	s17 =	sadd.s32 s22, s17  }
0x3f: {  	s25 =	simm.s32 $0x30;
	s20 =	sshrl.u32 s20, $0x2;
	s16 =	sadd.s32 s18, s23;
	v6 =	vld [tilespmem:s17+$0x0]  }
0x40: {  	s24 =	sshrl.u32 s21, $0x2;
	s21 =	sand.u32 $0x10, s25;
	s20 =	sadd.s32 s20, s15;
	v7 =	vld [tilespmem:s16+$0x0]  }
0x41: {  	s28 =	simm.s32 $0x240;
	v8 =	vor.u32 s18, v2;
	s19 =	sadd.s32 s24, s15;
	s29 =	sadd.s32 s21, s20;
	v5 =	vshll.u32 v5, $0x5  }
0x42: {  	s30 =	simm.s32 $0x140;
	s26 =	sadd.s32 s18, s19;
	v9 =	vld [tilespmem:s29+$0x0];
	s16 =	sand.u32 $0x3F80, s28;
	v5 =	vor.u32 v8, v5  }
0x43: {  	s31 =	simm.s32 $0x180;
	s25 =	simm.s32 $0x50;
	v10 =	vld [tilespmem:s26+$0x0];
	s23 =	sshrl.u32 s16, $0x2;
	v5 =	vor.u32 v3, v5  }
0x44: {  	s24 =	simm.s32 $0x1C0;
	s19 =	sand.u32 $0x10, s25;
	s23 =	sadd.s32 s23, s15;
	v6 =	vshll.u32 v6, $0x5  }
0x45: {  	s24 =	sand.u32 $0x3F80, s24;
	s20 =	sand.u32 $0x1F80, s30;
	s23 =	sadd.s32 s19, s23;
	v6 =	vor.u32 s22, v6;
	v7 =	vshll.u32 v7, $0x5  }
0x46: {  	s17 =	simm.s32 $0x80;
	s26 =	simm.s32 $0x200;
	s18 =	sand.u32 $0x3F80, s31;
	v11 =	vld [tilespmem:s23+$0x0];
	v12 =	vor.u32 v0, v6;
	v6 =	vor.u32 v8, v7  }
0x47: {  	s24 =	sshrl.u32 s24, $0x2;
	s29 =	simm.s32 $0x60;
	s18 =	sshrl.u32 s18, $0x2;
	v13 =	vor.u32 v3, v6;
	v6 =	vshll.u32 v9, $0x5  }
0x48: {  	s28 =	sshrl.u32 s20, $0x2;
	s20 =	sand.u32 $0x10, s29;
	s30 =	sadd.s32 s24, s15;
	v7 =	vshll.u32 v10, $0x5;
	[tilespmem:v5+s9+$0x0] =	vst.idx.msk $0xffff, v4;
	v5 =	vor.u32 s21, v6  }
0x49: {  	s16 =	simm.s32 $0x5;
	s18 =	sadd.s32 s18, s15;
	s22 =	sand.u32 $0x3F80, s26;
	v7 =	vor.u32 v8, v7;
	v6 =	vor.u32 v0, v5  }
0x4a: {  	s25 =	sadd.s32 s19, s30;
	s31 =	sadd.s32 s20, s18;
	s22 =	sshrl.u32 s22, $0x2;
	v7 =	vor.u32 v3, v7  }
0x4b: {  	s18 =	sand.u32 $0x10, s17;
	s23 =	sadd.s32 s28, s15;
	s22 =	sadd.s32 s22, s15;
	v8 =	vld [tilespmem:s31+$0x0];
	v10 =	vshll.u32 v11, $0x5;
	[tilespmem:v12+s9+$0x0] =	vst.idx.msk $0xffff, v4;
	v5 =	vor.u32 s19, v2  }
0x4c: {  	v9 =	vld [tilespmem:s25+$0x0];
	s22 =	sadd.s32 s18, s22;
	s21 =	sadd.s32 s19, s23;
	s19 =	simm.s32 $0x280;
	[tilespmem:v13+s9+$0x0] =	vst.idx.msk $0xffff, v4;
	v10 =	vor.u32 v5, v10  }
.LBB2_10:
0x4d: {  	s23 =	sadd.s32 $0x40, s19  }
0x4e: {  	s24 =	sadd.s32 $0x100, s19;
	s16 =	sadd.s32 $0x5, s16;
	v11 =	vld [tilespmem:s22+$0x0];
	v10 =	vor.u32 v3, v10;
	[tilespmem:v6+s9+$0x0] =	vst.idx.msk $0xffff, v4;
	s17 =	sadd.s32 $0x50, s17  }
0x4f: {  	s22 =	sand.u32 $0x3F80, s24;
	p0 =	slt.u32 s16, $0x5F;
	v6 =	vld [tilespmem:s21+$0x0];
	[tilespmem:v7+s9+$0x0] =	vst.idx.msk $0xffff, v4;
	s21 =	sadd.s32 $0xFFFFFFD0, s17  }
0x50: {  	s24 =	sadd.s32 $0x80, s19;
	s23 =	sand.u32 $0x3F80, s23;
	s22 =	sshrl.u32 s22, $0x2  }
0x51: {  	s25 =	sand.u32 $0x10, s21;
	s21 =	sadd.s32 $0xC0, s19;
	s22 =	sadd.s32 s22, s15;
	v7 =	vshll.u32 v8, $0x5  }
0x52: {  	s24 =	sand.u32 $0x3F80, s24;
	s23 =	sshrl.u32 s23, $0x2;
	s22 =	sadd.s32 s25, s22;
	v7 =	vor.u32 s20, v7;
	v8 =	vshll.u32 v9, $0x5  }
0x53: {  	s21 =	sand.u32 $0x3F80, s21;
	s23 =	sadd.s32 s23, s15;
	s20 =	sand.u32 $0x1F80, s19;
	v9 =	vld [tilespmem:s22+$0x0];
	v12 =	vor.u32 v0, v7;
	v7 =	vor.u32 v5, v8;
	v8 =	vshll.u32 v11, $0x5;
	[tilespmem:v10+s9+$0x0] =	vst.idx.msk $0xffff, v4  }
0x54: {  	s21 =	sshrl.u32 s21, $0x2;
	s20 =	sshrl.u32 s20, $0x2;
	s22 =	sshrl.u32 s24, $0x2;
	v6 =	vshll.u32 v6, $0x5;
	v11 =	vor.u32 v3, v7;
	v7 =	vor.u32 s18, v8  }
.Ltmp4:
0x55: {  	s18 =	sadd.s32 $0xFFFFFFE0, s17;
	s22 =	sadd.s32 s22, s15;
	v5 =	vor.u32 v5, v6;
	v6 =	vor.u32 v0, v7;
	(pc) =	sbr.rel @p0 .LBB2_10-.Ltmp4, $4  }
0x56: {  	s26 =	sadd.s32 s21, s15;
	s24 =	sadd.s32 s20, s15;
	s20 =	sand.u32 $0x10, s18;
	v7 =	vor.u32 v3, v5  }
0x57: {  	s28 =	sadd.s32 s25, s22;
	s18 =	sand.u32 $0x10, s17;
	s23 =	sadd.s32 s20, s23  }
0x58: {  	s21 =	sadd.s32 s25, s24;
	v5 =	vor.u32 s25, v2;
	s22 =	sadd.s32 s18, s26;
	v8 =	vld [tilespmem:s23+$0x0];
	v10 =	vshll.u32 v9, $0x5;
	[tilespmem:v12+s9+$0x0] =	vst.idx.msk $0xffff, v4  }
0x59: {  	s19 =	sadd.s32 $0x140, s19;
	v9 =	vld [tilespmem:s28+$0x0];
	v10 =	vor.u32 v5, v10;
	[tilespmem:v11+s9+$0x0] =	vst.idx.msk $0xffff, v4  }
0x5a: {  	v11 =	vld [tilespmem:s22+$0x0]  }
0x5b: {  	v12 =	vld [tilespmem:s21+$0x0];
	_ =	sdelay $0x1  }
0x5c: {  	v8 =	vshll.u32 v8, $0x5  }
0x5d: {  	v10 =	vor.u32 v3, v10;
	v8 =	vor.u32 s20, v8;
	v9 =	vshll.u32 v9, $0x5  }
0x5e: {  	v8 =	vor.u32 v0, v8;
	v9 =	vor.u32 v5, v9;
	v11 =	vshll.u32 v11, $0x5  }
0x5f: {  	v12 =	vshll.u32 v12, $0x5;
	v9 =	vor.u32 v3, v9;
	v11 =	vor.u32 s18, v11  }
0x60: {  	[tilespmem:v6+s9+$0x0] =	vst.idx.msk $0xffff, v4;
	s14 =	sadd.s32 $0x1, s14;
	v5 =	vor.u32 v5, v12;
	v6 =	vor.u32 v0, v11  }
0x61: {  	[tilespmem:v7+s9+$0x0] =	vst.idx.msk $0xffff, v4;
	p0 =	sne.s32 s14, $0x1A;
	v5 =	vor.u32 v3, v5  }
.Ltmp5:
0x62: {  	[tilespmem:v10+s9+$0x0] =	vst.idx.msk $0xffff, v4;
	(pc) =	sbr.rel @p0 .LBB2_9-.Ltmp5, $4  }
0x63: {  	[tilespmem:v8+s9+$0x0] =	vst.idx.msk $0xffff, v4  }
0x64: {  	[tilespmem:v9+s9+$0x0] =	vst.idx.msk $0xffff, v4  }
0x65: {  	[tilespmem:v6+s9+$0x0] =	vst.idx.msk $0xffff, v4  }
0x66: {  	[tilespmem:v5+s9+$0x0] =	vst.idx.msk $0xffff, v4  }
0x67: {  	s13 =	simm.s32 $0x400;
	s14 =	simm.s32 $0xA280;
	s15 =	sadd.s32 $0x0, s4  }
.LBB2_13:
0x68: {  	[hbm4b:s15+s6] =	stream.strided.scatter [tilespmem:s14], [sflag:$0x2], $0x100, s10, s6, $0x38;
	[tilespmem:$0x11F80] =	vst v63  }
0x69: {  	s15 =	smov.u32 s13;
	p0 =	sne.s32 s13, $0x1F000  }
.Ltmp6:
0x6a: {  	s13 =	sadd.s32 $0x400, s13;
	(pc) =	sbr.rel @p0 .LBB2_13-.Ltmp6, $3  }
0x6b: {  	_ =	sdelay $0x1  }
0x6c: {  	s14 =	sshra.s32 s15, $0x2  }
0x6d: {  	s15 =	sadd.s32 s15, s4;
	s14 =	sadd.s32 $0xA280, s14  }
0x6e: {  	s12 =	sadd.s32 $0x1, s12  }
0x6f: {  	p0 =	sne.s32 s12, s5  }
.Ltmp7:
0x70: {  	_ = 	snop;
	(pc) =	sbr.rel @p0 .LBB2_1-.Ltmp7, $4  }
0x71: {  	[hbm4b:s15+s6] =	stream.strided.scatter [tilespmem:s14], [sflag:$0x2], $0x100, s10, s6, $0x38;
	[tilespmem:$0x11F80] =	vst v63  }
0x72: {  	_ =	swait.ge [sflag:s11], $0x7D00  }
0x73: {  	[sflag:s11] =	ssyncset.done $0x0  }
0x74: {  	[sflag:s11] =	ssyncadd.s32 $0xFFFF8300  }
0x75: {  	_ =	sfence.sel $0x180000  }
0x76: {  	[bflag:$0x0] =	sbarrier.arrive $0xFFFF  }
0x77: {  	p0 =	sne.s32 s1, $0x0;
	_ =	strace $0x90000047  }
0x78: {  	s0 =	sadd.s32 @!p0 $0x100000, s0;
	[bflag:$0x2] =	sbarrier.arrive $0xFFFF  }
0x79: {  	[sflag:s0] =	ssyncadd.tile.s32 @!p0 $0x1;
	_ =	shalt  }
.Lfunc_end2:
_tile_overlayer_lowered:
.L_overlay_start_2:
0x7a: {  	(tag) =	ssettag $0x2  }
0x7b: {  	s0 =	rddreg [dreg:$0x0];
	s2 =	stileid.u32  }
0x7c: {  	s1 =	rddreg [dreg:$0x1];
	p0 =	sne.s32 s2, $0x0  }
0x7d: {  	s3 =	rddreg [dreg:$0x2];
	[bflag:$0x3] =	sbarrier.arrive $0xFFFF;
	s2 =	simm.s32 @!p0 $0x1C02  }
0x7e: {  	[timem:s3], [sflag:s2] =	dma.local @!p0 [hbm:s0], s1  }
0x7f: {  	s0 =	simm.s32 @!p0 $0x2  }
0x80: {  	_ =	swait.ge @!p0 [sflag:s0], s1  }
0x81: {  	s1 =	ssub.s32 @!p0 $0x0, s1;
	[sflag:s0] =	ssyncset.done @!p0 $0x0  }
0x82: {  	[sflag:s0] =	ssyncadd.s32 @!p0 s1  }
0x83: {  	[bflag:$0x3] =	sbarrier.arrive $0xFFFF  }
0x84: {  	_ =	shalt  }

</sc_bundles>
